<compile_context>
chip_gen: v7x
topology: tpu7x:2x2x1
jax: 0.10.2.dev20260603
libtpu: 0.0.44.dev20260713+nightly
codegen_flags: <defaults>
</compile_context>

<pallas_src>
import functools

import jax
import jax.numpy as jnp
from jax import lax
from jax.experimental import pallas as pl
from jax.experimental.pallas import tpu as pltpu
from jax.experimental.pallas import tpu_sc as plsc



def _make_som_body(g_per_som, sg):
    def body(x_ref, part_ref, wt_ref, out_ref):
        x = x_ref[...]
        wt = wt_ref[...]
        x2 = jnp.sum(x * x, axis=1, keepdims=True)
        w2 = jnp.sum(wt * wt, axis=0, keepdims=True)
        xw = lax.dot_general(
            x, wt,
            (((1,), (0,)), ((), ())),
            preferred_element_type=jnp.float32,
        )
        scores = x2 - 2.0 * xw + w2
        col = lax.broadcasted_iota(jnp.int32, scores.shape, 1)
        mask = (col // g_per_som) != part_ref[...]
        scores = jnp.where(mask, jnp.inf, scores)
        mn = jnp.min(scores, axis=1, keepdims=True)
        out_ref[...] = jnp.min(
            jnp.where(scores <= mn, col, sg), axis=1, keepdims=True
        )
    return body


def _make_meta_body(ncols, my):
    def body(x_ref, wt_ref, w2_ref, idx_ref, cx_ref, cy_ref):
        x = x_ref[...]
        wt = wt_ref[...]
        x2 = jnp.sum(x * x, axis=1, keepdims=True)
        xw = lax.dot_general(
            x, wt,
            (((1,), (0,)), ((), ())),
            preferred_element_type=jnp.float32,
        )
        scores = x2 - 2.0 * xw + w2_ref[...]
        col = lax.broadcasted_iota(jnp.int32, scores.shape, 1)
        scores = jnp.where(col >= ncols, jnp.inf, scores)
        mn = jnp.min(scores, axis=1, keepdims=True)
        idx = jnp.min(
            jnp.where(scores <= mn, col, ncols), axis=1, keepdims=True
        )
        idx_ref[...] = idx
        cx_ref[...] = idx // my
        cy_ref[...] = idx % my
    return body


def _tc_som_argmin(x, part2d, wt, g_per_som, bn=256):
    n, d = x.shape
    sg = wt.shape[1]
    return pl.pallas_call(
        _make_som_body(g_per_som, sg),
        grid=(n // bn,),
        in_specs=[
            pl.BlockSpec((bn, d), lambda i: (i, 0)),
            pl.BlockSpec((bn, 1), lambda i: (i, 0)),
            pl.BlockSpec((d, sg), lambda i: (0, 0)),
        ],
        out_specs=pl.BlockSpec((bn, 1), lambda i: (i, 0)),
        out_shape=jax.ShapeDtypeStruct((n, 1), jnp.int32),
    )(x, part2d, wt)


def _tc_meta_argmin(x, wt, w2, ncols, my, bn=256):
    n = x.shape[0]
    d, mp = wt.shape
    o = jax.ShapeDtypeStruct((n, 1), jnp.int32)
    return pl.pallas_call(
        _make_meta_body(ncols, my),
        grid=(n // bn,),
        in_specs=[
            pl.BlockSpec((bn, d), lambda i: (i, 0)),
            pl.BlockSpec((d, mp), lambda i: (0, 0)),
            pl.BlockSpec((1, mp), lambda i: (0, 0)),
        ],
        out_specs=[pl.BlockSpec((bn, 1), lambda i: (i, 0))] * 3,
        out_shape=[o, o, o],
    )(x, wt, w2)



def _sc_gather(table, idx):
    info = plsc.get_sparse_core_info()
    nw = info.num_cores * info.num_subcores
    b, d = idx.shape[0], table.shape[1]
    bw = b // nw
    mesh = plsc.VectorSubcoreMesh(core_axis_name="c", subcore_axis_name="s")

    @functools.partial(
        pl.kernel,
        mesh=mesh,
        out_type=jax.ShapeDtypeStruct((b, d), table.dtype),
        scratch_types=[
            pltpu.VMEM((bw,), jnp.int32),
            pltpu.VMEM((bw, d), table.dtype),
            pltpu.SemaphoreType.DMA,
        ],
    )
    def k(table_hbm, idx_hbm, out_hbm, idx_v, rows_v, sem):
        wid = lax.axis_index("s") * info.num_cores + lax.axis_index("c")
        base = wid * bw
        pltpu.sync_copy(idx_hbm.at[pl.ds(base, bw)], idx_v)
        pltpu.async_copy(table_hbm.at[idx_v], rows_v, sem).wait()
        pltpu.sync_copy(rows_v, out_hbm.at[pl.ds(base, bw)])

    return k(table, idx)



@jax.jit
def kernel(input_vectors, partition_indices, som_weights, meta_weights):
    n, d = input_vectors.shape
    s = som_weights.shape[0]
    g = som_weights.shape[1] * som_weights.shape[2]
    all_w = som_weights.reshape(s * g, d)
    all_w128 = jnp.pad(all_w, ((0, 0), (0, 128 - d)))

    mx, my = meta_weights.shape[0], meta_weights.shape[1]
    m = mx * my
    m_pad = ((m + 127) // 128) * 128
    mflat = meta_weights.reshape(m, d)
    mflat128 = jnp.pad(mflat, ((0, m_pad - m), (0, 128 - d)))

    m2 = jnp.pad(jnp.sum(mflat * mflat, axis=1), (0, m_pad - m))[None, :]
    mflat_t = jnp.pad(mflat, ((0, m_pad - m), (0, 0))).T

    bmu_flat = _tc_som_argmin(
        input_vectors, partition_indices.reshape(n, 1), all_w.T, g
    ).reshape(n)
    sel128 = _sc_gather(all_w128, bmu_flat)
    meta_idx, cx, cy = _tc_meta_argmin(sel128[:, :d], mflat_t, m2, m, my)
    meta_vec = _sc_gather(mflat128, meta_idx.reshape(n))[:, :d]
    coords = jnp.concatenate([cx, cy], axis=1)
    return coords, meta_vec

# --- scband reference (transcript-rebuilt; emitter-appended) ---
"""Pipeline reference for scband-federated-self-organizing-map-20658792694125 (READ-ONLY COPY).

The authoritative reference and input builder live on the scoring server;
editing this copy changes nothing except your own understanding.
"""

import jax, jax.numpy as jnp
import numpy as np

NUM_SOMS = 8
GX, GY = 32, 32
D = 64
N = 4096
# meta grid: edge = ceil((num_soms * prod(grid_size)) ** (1/meta_grid_dim)) = ceil(sqrt(8192)) = 91
MX, MY = 91, 91


def setup_inputs(seed: int = 0) -> dict:
    key = jax.random.key(seed)
    k1, k2, k3, k4 = jax.random.split(key, 4)
    input_vectors = jax.random.normal(k1, (N, D), dtype=jnp.float32)
    partition_indices = jnp.sort(jax.random.randint(k2, (N,), 0, NUM_SOMS, dtype=jnp.int32))
    # learned parameters: per-client SOM codebooks and the meta-SOM codebook
    som_weights = jax.random.normal(k3, (NUM_SOMS, GX, GY, D), dtype=jnp.float32) * 0.1
    meta_weights = jax.random.normal(k4, (MX, MY, D), dtype=jnp.float32) * 0.1
    return {
        "input_vectors": input_vectors,
        "partition_indices": partition_indices,
        "som_weights": som_weights,
        "meta_weights": meta_weights,
    }


def reference(input_vectors, partition_indices, som_weights, meta_weights):
    # Batched version of FederatedSelfOrganizingMap.find_best_matching_unit:
    # 1) BMU lookup in the per-partition local SOM codebook
    # 2) gather the local BMU weight vector
    # 3) BMU lookup of that weight in the meta-SOM codebook
    S = som_weights.shape[0]
    d = som_weights.shape[-1]
    flat = som_weights.reshape(S, -1, d)          # [S, G, D]
    G = flat.shape[1]
    allW = flat.reshape(S * G, d)                 # [S*G, D]

    # squared euclidean distance to every unit of every SOM, mask out foreign SOMs
    x2 = jnp.sum(input_vectors * input_vectors, axis=1, keepdims=True)   # [N,1]
    w2 = jnp.sum(allW * allW, axis=1)[None, :]                           # [1,S*G]
    d2 = x2 - 2.0 * (input_vectors @ allW.T) + w2                        # [N,S*G]
    som_of_unit = jnp.repeat(jnp.arange(S, dtype=jnp.int32), G)          # [S*G]
    mask = som_of_unit[None, :] != partition_indices[:, None]
    d2 = jnp.where(mask, jnp.inf, d2)
    bmu_flat = jnp.argmin(d2, axis=1)                                    # [N]

    sel = jnp.take(allW, bmu_flat, axis=0)                               # [N,D] gathered local BMU weights

    # meta-SOM BMU for each gathered weight vector
    mflat = meta_weights.reshape(-1, d)                                  # [MX*MY, D]
    s2 = jnp.sum(sel * sel, axis=1, keepdims=True)
    m2 = jnp.sum(mflat * mflat, axis=1)[None, :]
    md2 = s2 - 2.0 * (sel @ mflat.T) + m2                                # [N, MX*MY]
    meta_idx = jnp.argmin(md2, axis=1)

    my = meta_weights.shape[1]
    coords = jnp.stack([meta_idx // my, meta_idx % my], axis=1).astype(jnp.int32)  # [N,2] meta BMU grid coords
    meta_vec = jnp.take(mflat, meta_idx, axis=0)                         # [N,D] meta BMU weights
    return coords, meta_vec

if __name__ == "__main__":
    import jax
    _d = setup_inputs()
    print(jax.jit(kernel)(*tuple(_d.values())))

</pallas_src>

<mosaic_0001>
#map = affine_map<(d0, d1) -> (0, 0)>
#map1 = affine_map<(d0, d1) -> (0)>
module attributes {stable_mosaic.version = 14 : i64} {
  func.func @k(%arg0: i32, %arg1: i32, %arg2: memref<8192x128xf32, #tpu.memory_space<hbm>>, %arg3: memref<4096xi32, #tpu.memory_space<hbm>>, %arg4: memref<4096x128xf32, #tpu.memory_space<hbm>>, %arg5: memref<128xi32, #tpu.memory_space<vmem>>, %arg6: memref<128x128xf32, #tpu.memory_space<vmem>>, %arg7: memref<!tpu.dma_semaphore, #tpu.memory_space<semaphore_mem>>) attributes {dimension_semantics = [#tpu.dimension_semantics<core_parallel>, #tpu.dimension_semantics<subcore_parallel>], iteration_bounds = array<i64: 2, 16>, scalar_prefetch = 0 : i64, scratch_operands = 3 : i64, tpu.core_type = #tpu.core_type<sc_vector_subcore>, window_params = [{transform_indices = #map}, {transform_indices = #map1}, {transform_indices = #map}]} {
    %mul3A = arith.constant 2 : i32
    %mul3A_0 = arith.muli %arg1, %mul3A : i32
    %add3A = arith.addi %mul3A_0, %arg0 : i32
    %mul3A_1 = arith.constant 128 : i32
    %mul3A_2 = arith.muli %add3A, %mul3A_1 : i32
    "tpu.region"() ({
      %run_scoped3A = tpu.sem_alloc : memref<!tpu.dma_semaphore, #tpu.memory_space<semaphore_mem>>
      %dma_start3A_7 = tpu.memref_slice %arg3[%mul3A_2] : memref<4096xi32, #tpu.memory_space<hbm>> -> memref<128xi32, #tpu.memory_space<hbm>>
      %dma_start3A_8 = tpu.memref_slice %arg3[%mul3A_2] : memref<4096xi32, #tpu.memory_space<hbm>> -> memref<128xi32, #tpu.memory_space<hbm>>
      tpu.enqueue_dma source(%dma_start3A_8 : memref<128xi32, #tpu.memory_space<hbm>>) target(%arg5 : memref<128xi32, #tpu.memory_space<vmem>>) target_semaphore(%run_scoped3A : memref<!tpu.dma_semaphore, #tpu.memory_space<semaphore_mem>>)
      %dma_wait3A_9 = tpu.memref_slice %arg3[%mul3A_2] : memref<4096xi32, #tpu.memory_space<hbm>> -> memref<128xi32, #tpu.memory_space<hbm>>
      %dma_wait3A_10 = tpu.memref_slice %arg3[%mul3A_2] : memref<4096xi32, #tpu.memory_space<hbm>> -> memref<128xi32, #tpu.memory_space<hbm>>
      tpu.wait_dma2 semaphore(%run_scoped3A : memref<!tpu.dma_semaphore, #tpu.memory_space<semaphore_mem>>) src(%dma_wait3A_10 : memref<128xi32, #tpu.memory_space<hbm>>) dst(%arg5 : memref<128xi32, #tpu.memory_space<vmem>>)
      tpu.yield
    }) : () -> ()
    %dma_start3A = arith.constant 0 : i32
    %dma_start3A_3 = arith.constant 0 : i32
    %dma_start3A_4 = tpu.memref_slice %arg2[%dma_start3A, %dma_start3A_3] : memref<8192x128xf32, #tpu.memory_space<hbm>> -> memref<8192x128xf32, #tpu.memory_space<hbm>>
    tpu.enqueue_indirect_dma source(%dma_start3A_4 : memref<8192x128xf32, #tpu.memory_space<hbm>>) target(%arg6 : memref<128x128xf32, #tpu.memory_space<vmem>>) offsets(%arg5 : memref<128xi32, #tpu.memory_space<vmem>>) semaphore(%arg7 : memref<!tpu.dma_semaphore, #tpu.memory_space<semaphore_mem>>)
    %dma_wait3A = arith.constant 0 : i32
    %dma_wait3A_5 = arith.constant 0 : i32
    %dma_wait3A_6 = tpu.memref_slice %arg2[%dma_wait3A, %dma_wait3A_5] : memref<8192x128xf32, #tpu.memory_space<hbm>> -> memref<8192x128xf32, #tpu.memory_space<hbm>>
    tpu.wait_indirect_dma semaphore(%arg7 : memref<!tpu.dma_semaphore, #tpu.memory_space<semaphore_mem>>) src(%dma_wait3A_6 : memref<8192x128xf32, #tpu.memory_space<hbm>>) dst(%arg6 : memref<128x128xf32, #tpu.memory_space<vmem>>)
    "tpu.region"() ({
      %run_scoped3A = tpu.sem_alloc : memref<!tpu.dma_semaphore, #tpu.memory_space<semaphore_mem>>
      %dma_start3A_7 = arith.constant 0 : i32
      %dma_start3A_8 = tpu.memref_slice %arg4[%mul3A_2, %dma_start3A_7] : memref<4096x128xf32, #tpu.memory_space<hbm>> -> memref<128x128xf32, #tpu.memory_space<hbm>>
      %dma_start3A_9 = arith.constant 0 : i32
      %dma_start3A_10 = tpu.memref_slice %arg4[%mul3A_2, %dma_start3A_9] : memref<4096x128xf32, #tpu.memory_space<hbm>> -> memref<128x128xf32, #tpu.memory_space<hbm>>
      tpu.enqueue_dma source(%arg6 : memref<128x128xf32, #tpu.memory_space<vmem>>) target(%dma_start3A_10 : memref<128x128xf32, #tpu.memory_space<hbm>>) target_semaphore(%run_scoped3A : memref<!tpu.dma_semaphore, #tpu.memory_space<semaphore_mem>>)
      %dma_wait3A_11 = arith.constant 0 : i32
      %dma_wait3A_12 = tpu.memref_slice %arg4[%mul3A_2, %dma_wait3A_11] : memref<4096x128xf32, #tpu.memory_space<hbm>> -> memref<128x128xf32, #tpu.memory_space<hbm>>
      %dma_wait3A_13 = arith.constant 0 : i32
      %dma_wait3A_14 = tpu.memref_slice %arg4[%mul3A_2, %dma_wait3A_13] : memref<4096x128xf32, #tpu.memory_space<hbm>> -> memref<128x128xf32, #tpu.memory_space<hbm>>
      tpu.wait_dma2 semaphore(%run_scoped3A : memref<!tpu.dma_semaphore, #tpu.memory_space<semaphore_mem>>) src(%arg6 : memref<128x128xf32, #tpu.memory_space<vmem>>) dst(%dma_wait3A_14 : memref<128x128xf32, #tpu.memory_space<hbm>>)
      tpu.yield
    }) : () -> ()
    return
  }
}

#map = affine_map<(d0, d1) -> (0, 0)>
#map1 = affine_map<(d0, d1) -> (0)>
module attributes {stable_mosaic.version = 14 : i64} {
  func.func @k(%arg0: i32, %arg1: i32, %arg2: memref<8320x128xf32, #tpu.memory_space<hbm>>, %arg3: memref<4096xi32, #tpu.memory_space<hbm>>, %arg4: memref<4096x128xf32, #tpu.memory_space<hbm>>, %arg5: memref<128xi32, #tpu.memory_space<vmem>>, %arg6: memref<128x128xf32, #tpu.memory_space<vmem>>, %arg7: memref<!tpu.dma_semaphore, #tpu.memory_space<semaphore_mem>>) attributes {dimension_semantics = [#tpu.dimension_semantics<core_parallel>, #tpu.dimension_semantics<subcore_parallel>], iteration_bounds = array<i64: 2, 16>, scalar_prefetch = 0 : i64, scratch_operands = 3 : i64, tpu.core_type = #tpu.core_type<sc_vector_subcore>, window_params = [{transform_indices = #map}, {transform_indices = #map1}, {transform_indices = #map}]} {
    %mul3A = arith.constant 2 : i32
    %mul3A_0 = arith.muli %arg1, %mul3A : i32
    %add3A = arith.addi %mul3A_0, %arg0 : i32
    %mul3A_1 = arith.constant 128 : i32
    %mul3A_2 = arith.muli %add3A, %mul3A_1 : i32
    "tpu.region"() ({
      %run_scoped3A = tpu.sem_alloc : memref<!tpu.dma_semaphore, #tpu.memory_space<semaphore_mem>>
      %dma_start3A_7 = tpu.memref_slice %arg3[%mul3A_2] : memref<4096xi32, #tpu.memory_space<hbm>> -> memref<128xi32, #tpu.memory_space<hbm>>
      %dma_start3A_8 = tpu.memref_slice %arg3[%mul3A_2] : memref<4096xi32, #tpu.memory_space<hbm>> -> memref<128xi32, #tpu.memory_space<hbm>>
      tpu.enqueue_dma source(%dma_start3A_8 : memref<128xi32, #tpu.memory_space<hbm>>) target(%arg5 : memref<128xi32, #tpu.memory_space<vmem>>) target_semaphore(%run_scoped3A : memref<!tpu.dma_semaphore, #tpu.memory_space<semaphore_mem>>)
      %dma_wait3A_9 = tpu.memref_slice %arg3[%mul3A_2] : memref<4096xi32, #tpu.memory_space<hbm>> -> memref<128xi32, #tpu.memory_space<hbm>>
      %dma_wait3A_10 = tpu.memref_slice %arg3[%mul3A_2] : memref<4096xi32, #tpu.memory_space<hbm>> -> memref<128xi32, #tpu.memory_space<hbm>>
      tpu.wait_dma2 semaphore(%run_scoped3A : memref<!tpu.dma_semaphore, #tpu.memory_space<semaphore_mem>>) src(%dma_wait3A_10 : memref<128xi32, #tpu.memory_space<hbm>>) dst(%arg5 : memref<128xi32, #tpu.memory_space<vmem>>)
      tpu.yield
    }) : () -> ()
    %dma_start3A = arith.constant 0 : i32
    %dma_start3A_3 = arith.constant 0 : i32
    %dma_start3A_4 = tpu.memref_slice %arg2[%dma_start3A, %dma_start3A_3] : memref<8320x128xf32, #tpu.memory_space<hbm>> -> memref<8320x128xf32, #tpu.memory_space<hbm>>
    tpu.enqueue_indirect_dma source(%dma_start3A_4 : memref<8320x128xf32, #tpu.memory_space<hbm>>) target(%arg6 : memref<128x128xf32, #tpu.memory_space<vmem>>) offsets(%arg5 : memref<128xi32, #tpu.memory_space<vmem>>) semaphore(%arg7 : memref<!tpu.dma_semaphore, #tpu.memory_space<semaphore_mem>>)
    %dma_wait3A = arith.constant 0 : i32
    %dma_wait3A_5 = arith.constant 0 : i32
    %dma_wait3A_6 = tpu.memref_slice %arg2[%dma_wait3A, %dma_wait3A_5] : memref<8320x128xf32, #tpu.memory_space<hbm>> -> memref<8320x128xf32, #tpu.memory_space<hbm>>
    tpu.wait_indirect_dma semaphore(%arg7 : memref<!tpu.dma_semaphore, #tpu.memory_space<semaphore_mem>>) src(%dma_wait3A_6 : memref<8320x128xf32, #tpu.memory_space<hbm>>) dst(%arg6 : memref<128x128xf32, #tpu.memory_space<vmem>>)
    "tpu.region"() ({
      %run_scoped3A = tpu.sem_alloc : memref<!tpu.dma_semaphore, #tpu.memory_space<semaphore_mem>>
      %dma_start3A_7 = arith.constant 0 : i32
      %dma_start3A_8 = tpu.memref_slice %arg4[%mul3A_2, %dma_start3A_7] : memref<4096x128xf32, #tpu.memory_space<hbm>> -> memref<128x128xf32, #tpu.memory_space<hbm>>
      %dma_start3A_9 = arith.constant 0 : i32
      %dma_start3A_10 = tpu.memref_slice %arg4[%mul3A_2, %dma_start3A_9] : memref<4096x128xf32, #tpu.memory_space<hbm>> -> memref<128x128xf32, #tpu.memory_space<hbm>>
      tpu.enqueue_dma source(%arg6 : memref<128x128xf32, #tpu.memory_space<vmem>>) target(%dma_start3A_10 : memref<128x128xf32, #tpu.memory_space<hbm>>) target_semaphore(%run_scoped3A : memref<!tpu.dma_semaphore, #tpu.memory_space<semaphore_mem>>)
      %dma_wait3A_11 = arith.constant 0 : i32
      %dma_wait3A_12 = tpu.memref_slice %arg4[%mul3A_2, %dma_wait3A_11] : memref<4096x128xf32, #tpu.memory_space<hbm>> -> memref<128x128xf32, #tpu.memory_space<hbm>>
      %dma_wait3A_13 = arith.constant 0 : i32
      %dma_wait3A_14 = tpu.memref_slice %arg4[%mul3A_2, %dma_wait3A_13] : memref<4096x128xf32, #tpu.memory_space<hbm>> -> memref<128x128xf32, #tpu.memory_space<hbm>>
      tpu.wait_dma2 semaphore(%run_scoped3A : memref<!tpu.dma_semaphore, #tpu.memory_space<semaphore_mem>>) src(%arg6 : memref<128x128xf32, #tpu.memory_space<vmem>>) dst(%dma_wait3A_14 : memref<128x128xf32, #tpu.memory_space<hbm>>)
      tpu.yield
    }) : () -> ()
    return
  }
}

module attributes {stable_mosaic.version = 14 : i64} {
  func.func @body(%arg0: i32, %arg1: memref<256x64xf32, #tpu.memory_space<vmem>>, %arg2: memref<256x1xi32, #tpu.memory_space<vmem>>, %arg3: memref<64x8192xf32, #tpu.memory_space<vmem>>, %arg4: memref<256x1xi32, #tpu.memory_space<vmem>>) attributes {dimension_semantics = [#tpu.dimension_semantics<arbitrary>], iteration_bounds = array<i64: 16>, scalar_prefetch = 0 : i64, scratch_operands = 0 : i64, tpu.core_type = #tpu.core_type<tc>, window_params = [{transform_indices = @transform_0, window_bounds = array<i64: 256, 64>}, {transform_indices = @transform_1, window_bounds = array<i64: 256, 1>}, {pipeline_mode = #tpu.pipeline_mode<synchronous>, transform_indices = @transform_2, window_bounds = array<i64: 64, 8192>}, {transform_indices = @transform_3, window_bounds = array<i64: 256, 1>}]} {
    %get3A = arith.constant 0 : index
    %get3A_0 = arith.constant 0 : index
    %get3A_1 = vector.load %arg1[%get3A, %get3A_0] : memref<256x64xf32, #tpu.memory_space<vmem>>, vector<256x64xf32>
    %get3A_2 = arith.constant 0 : index
    %get3A_3 = arith.constant 0 : index
    %get3A_4 = vector.load %arg3[%get3A_2, %get3A_3] : memref<64x8192xf32, #tpu.memory_space<vmem>>, vector<64x8192xf32>
    %mul3A = arith.mulf %get3A_1, %get3A_1 : vector<256x64xf32>
    %reduce_sum3A = arith.constant dense<0.000000e+00> : vector<256xf32>
    %reduce_sum3A_5 = vector.multi_reduction <add>, %mul3A, %reduce_sum3A [1] : vector<256x64xf32> to vector<256xf32>
    %broadcast_in_dim3A = vector.shape_cast %reduce_sum3A_5 : vector<256xf32> to vector<256x1xf32>
    %mul3A_6 = arith.mulf %get3A_4, %get3A_4 : vector<64x8192xf32>
    %reduce_sum3A_7 = arith.constant dense<0.000000e+00> : vector<8192xf32>
    %reduce_sum3A_8 = vector.multi_reduction <add>, %mul3A_6, %reduce_sum3A_7 [0] : vector<64x8192xf32> to vector<8192xf32>
    %broadcast_in_dim3A_9 = vector.shape_cast %reduce_sum3A_8 : vector<8192xf32> to vector<1x8192xf32>
    %dot_general3A = arith.constant dense<0.000000e+00> : vector<256x8192xf32>
    %dot_general3A_10 = tpu.matmul %get3A_1, %get3A_4, %dot_general3A {dimension_numbers = #tpu.dot_dimension_numbers<[1], [0], [0], [1], [0, 0, 1, 1], [], []>, transpose_lhs_hint = false} : vector<256x64xf32>, vector<64x8192xf32>, vector<256x8192xf32> -> vector<256x8192xf32>
    %mul3A_11 = arith.constant 2.000000e+00 : f32
    %mul3A_12 = vector.broadcast %mul3A_11 : f32 to vector<256x8192xf32>
    %mul3A_13 = arith.mulf %mul3A_12, %dot_general3A_10 : vector<256x8192xf32>
    %sub3A = vector.broadcast %broadcast_in_dim3A : vector<256x1xf32> to vector<256x8192xf32>
    %sub3A_14 = arith.subf %sub3A, %mul3A_13 : vector<256x8192xf32>
    %add3A = vector.broadcast %broadcast_in_dim3A_9 : vector<1x8192xf32> to vector<256x8192xf32>
    %add3A_15 = arith.addf %sub3A_14, %add3A : vector<256x8192xf32>
    %iota3A = tpu.iota {dimensions = array<i32: 1>} : vector<256x8192xi32>
    %jit3A = arith.constant 1024 : i32
    %div3A = vector.broadcast %jit3A : i32 to vector<256x8192xi32>
    %div3A_16 = arith.divsi %iota3A, %div3A : vector<256x8192xi32>
    %sign3A = arith.constant 0 : i32
    %sign3A_17 = vector.broadcast %sign3A : i32 to vector<256x8192xi32>
    %sign3A_18 = arith.cmpi sgt, %iota3A, %sign3A_17 : vector<256x8192xi32>
    %sign3A_19 = arith.extui %sign3A_18 : vector<256x8192xi1> to vector<256x8192xi32>
    %sign3A_20 = arith.constant 0 : i32
    %sign3A_21 = vector.broadcast %sign3A_20 : i32 to vector<256x8192xi32>
    %sign3A_22 = arith.cmpi slt, %iota3A, %sign3A_21 : vector<256x8192xi32>
    %sign3A_23 = arith.extui %sign3A_22 : vector<256x8192xi1> to vector<256x8192xi32>
    %sign3A_24 = arith.subi %sign3A_19, %sign3A_23 : vector<256x8192xi32>
    %sign3A_25 = arith.constant 0 : i32
    %sign3A_26 = arith.cmpi sgt, %jit3A, %sign3A_25 : i32
    %sign3A_27 = arith.extui %sign3A_26 : i1 to i32
    %sign3A_28 = arith.constant 0 : i32
    %sign3A_29 = arith.cmpi slt, %jit3A, %sign3A_28 : i32
    %sign3A_30 = arith.extui %sign3A_29 : i1 to i32
    %sign3A_31 = arith.subi %sign3A_27, %sign3A_30 : i32
    %ne3A = vector.broadcast %sign3A_31 : i32 to vector<256x8192xi32>
    %ne3A_32 = arith.cmpi ne, %sign3A_24, %ne3A : vector<256x8192xi32>
    %rem3A = vector.broadcast %jit3A : i32 to vector<256x8192xi32>
    %rem3A_33 = arith.remsi %iota3A, %rem3A : vector<256x8192xi32>
    %ne3A_34 = arith.constant 0 : i32
    %ne3A_35 = vector.broadcast %ne3A_34 : i32 to vector<256x8192xi32>
    %ne3A_36 = arith.cmpi ne, %rem3A_33, %ne3A_35 : vector<256x8192xi32>
    %and3A = arith.andi %ne3A_32, %ne3A_36 : vector<256x8192xi1>
    %sub3A_37 = arith.constant 1 : i32
    %sub3A_38 = vector.broadcast %sub3A_37 : i32 to vector<256x8192xi32>
    %sub3A_39 = arith.subi %div3A_16, %sub3A_38 : vector<256x8192xi32>
    %select_n3A = arith.select %and3A, %sub3A_39, %div3A_16 : vector<256x8192xi1>, vector<256x8192xi32>
    %get3A_40 = arith.constant 0 : index
    %get3A_41 = arith.constant 0 : index
    %get3A_42 = vector.load %arg2[%get3A_40, %get3A_41] : memref<256x1xi32, #tpu.memory_space<vmem>>, vector<256x1xi32>
    %ne3A_43 = vector.broadcast %get3A_42 : vector<256x1xi32> to vector<256x8192xi32>
    %ne3A_44 = arith.cmpi ne, %select_n3A, %ne3A_43 : vector<256x8192xi32>
    %jit3A_45 = arith.constant 0x7F800000 : f32
    %broadcast_in_dim3A_46 = vector.broadcast %jit3A_45 : f32 to vector<256x8192xf32>
    %select_n3A_47 = arith.select %ne3A_44, %broadcast_in_dim3A_46, %add3A_15 : vector<256x8192xi1>, vector<256x8192xf32>
    %reduce_min3A = arith.constant dense<0x7F800000> : vector<256xf32>
    %reduce_min3A_48 = vector.multi_reduction <minimumf>, %select_n3A_47, %reduce_min3A [1] : vector<256x8192xf32> to vector<256xf32>
    %broadcast_in_dim3A_49 = vector.shape_cast %reduce_min3A_48 : vector<256xf32> to vector<256x1xf32>
    %le3A = vector.broadcast %broadcast_in_dim3A_49 : vector<256x1xf32> to vector<256x8192xf32>
    %le3A_50 = arith.cmpf ole, %select_n3A_47, %le3A : vector<256x8192xf32>
    %jit3A_51 = arith.constant 8192 : i32
    %broadcast_in_dim3A_52 = vector.broadcast %jit3A_51 : i32 to vector<256x8192xi32>
    %select_n3A_53 = arith.select %le3A_50, %iota3A, %broadcast_in_dim3A_52 : vector<256x8192xi1>, vector<256x8192xi32>
    %reduce_min3A_54 = arith.constant dense<2147483647> : vector<256xi32>
    %reduce_min3A_55 = vector.multi_reduction <minsi>, %select_n3A_53, %reduce_min3A_54 [1] : vector<256x8192xi32> to vector<256xi32>
    %broadcast_in_dim3A_56 = vector.shape_cast %reduce_min3A_55 : vector<256xi32> to vector<256x1xi32>
    %swap3A = arith.constant 0 : index
    %swap3A_57 = arith.constant 0 : index
    %swap3A_58 = vector.load %arg4[%swap3A, %swap3A_57] : memref<256x1xi32, #tpu.memory_space<vmem>>, vector<256x1xi32>
    tpu.vector_store %arg4[%swap3A, %swap3A_57], %broadcast_in_dim3A_56 {strides = array<i32>} : memref<256x1xi32, #tpu.memory_space<vmem>>, vector<256x1xi32>,
    return
  }
  func.func @transform_0(%arg0: i32) -> (i32, i32) {
    %c0_i32 = arith.constant 0 : i32
    %c0_i32_0 = arith.constant 0 : i32
    return %arg0, %c0_i32 : i32, i32
  }
  func.func @transform_1(%arg0: i32) -> (i32, i32) {
    %c0_i32 = arith.constant 0 : i32
    %c0_i32_0 = arith.constant 0 : i32
    return %arg0, %c0_i32 : i32, i32
  }
  func.func @transform_2(%arg0: i32) -> (i32, i32) {
    %c0_i32 = arith.constant 0 : i32
    %c0_i32_0 = arith.constant 0 : i32
    %c0_i32_1 = arith.constant 0 : i32
    return %c0_i32, %c0_i32_0 : i32, i32
  }
  func.func @transform_3(%arg0: i32) -> (i32, i32) {
    %c0_i32 = arith.constant 0 : i32
    %c0_i32_0 = arith.constant 0 : i32
    return %arg0, %c0_i32 : i32, i32
  }
}

module attributes {stable_mosaic.version = 14 : i64} {
  func.func @body(%arg0: i32, %arg1: memref<256x64xf32, #tpu.memory_space<vmem>>, %arg2: memref<64x8320xf32, #tpu.memory_space<vmem>>, %arg3: memref<1x8320xf32, #tpu.memory_space<vmem>>, %arg4: memref<256x1xi32, #tpu.memory_space<vmem>>, %arg5: memref<256x1xi32, #tpu.memory_space<vmem>>, %arg6: memref<256x1xi32, #tpu.memory_space<vmem>>) attributes {dimension_semantics = [#tpu.dimension_semantics<arbitrary>], iteration_bounds = array<i64: 16>, scalar_prefetch = 0 : i64, scratch_operands = 0 : i64, tpu.core_type = #tpu.core_type<tc>, window_params = [{transform_indices = @transform_0, window_bounds = array<i64: 256, 64>}, {pipeline_mode = #tpu.pipeline_mode<synchronous>, transform_indices = @transform_1, window_bounds = array<i64: 64, 8320>}, {pipeline_mode = #tpu.pipeline_mode<synchronous>, transform_indices = @transform_2, window_bounds = array<i64: 1, 8320>}, {transform_indices = @transform_3, window_bounds = array<i64: 256, 1>}, {transform_indices = @transform_4, window_bounds = array<i64: 256, 1>}, {transform_indices = @transform_5, window_bounds = array<i64: 256, 1>}]} {
    %get3A = arith.constant 0 : index
    %get3A_0 = arith.constant 0 : index
    %get3A_1 = vector.load %arg1[%get3A, %get3A_0] : memref<256x64xf32, #tpu.memory_space<vmem>>, vector<256x64xf32>
    %get3A_2 = arith.constant 0 : index
    %get3A_3 = arith.constant 0 : index
    %get3A_4 = vector.load %arg2[%get3A_2, %get3A_3] : memref<64x8320xf32, #tpu.memory_space<vmem>>, vector<64x8320xf32>
    %mul3A = arith.mulf %get3A_1, %get3A_1 : vector<256x64xf32>
    %reduce_sum3A = arith.constant dense<0.000000e+00> : vector<256xf32>
    %reduce_sum3A_5 = vector.multi_reduction <add>, %mul3A, %reduce_sum3A [1] : vector<256x64xf32> to vector<256xf32>
    %broadcast_in_dim3A = vector.shape_cast %reduce_sum3A_5 : vector<256xf32> to vector<256x1xf32>
    %dot_general3A = arith.constant dense<0.000000e+00> : vector<256x8320xf32>
    %dot_general3A_6 = tpu.matmul %get3A_1, %get3A_4, %dot_general3A {dimension_numbers = #tpu.dot_dimension_numbers<[1], [0], [0], [1], [0, 0, 1, 1], [], []>, transpose_lhs_hint = false} : vector<256x64xf32>, vector<64x8320xf32>, vector<256x8320xf32> -> vector<256x8320xf32>
    %mul3A_7 = arith.constant 2.000000e+00 : f32
    %mul3A_8 = vector.broadcast %mul3A_7 : f32 to vector<256x8320xf32>
    %mul3A_9 = arith.mulf %mul3A_8, %dot_general3A_6 : vector<256x8320xf32>
    %sub3A = vector.broadcast %broadcast_in_dim3A : vector<256x1xf32> to vector<256x8320xf32>
    %sub3A_10 = arith.subf %sub3A, %mul3A_9 : vector<256x8320xf32>
    %get3A_11 = arith.constant 0 : index
    %get3A_12 = arith.constant 0 : index
    %get3A_13 = vector.load %arg3[%get3A_11, %get3A_12] : memref<1x8320xf32, #tpu.memory_space<vmem>>, vector<1x8320xf32>
    %add3A = vector.broadcast %get3A_13 : vector<1x8320xf32> to vector<256x8320xf32>
    %add3A_14 = arith.addf %sub3A_10, %add3A : vector<256x8320xf32>
    %iota3A = tpu.iota {dimensions = array<i32: 1>} : vector<256x8320xi32>
    %ge3A = arith.constant 8281 : i32
    %ge3A_15 = vector.broadcast %ge3A : i32 to vector<256x8320xi32>
    %ge3A_16 = arith.cmpi sge, %iota3A, %ge3A_15 : vector<256x8320xi32>
    %jit3A = arith.constant 0x7F800000 : f32
    %broadcast_in_dim3A_17 = vector.broadcast %jit3A : f32 to vector<256x8320xf32>
    %select_n3A = arith.select %ge3A_16, %broadcast_in_dim3A_17, %add3A_14 : vector<256x8320xi1>, vector<256x8320xf32>
    %reduce_min3A = arith.constant dense<0x7F800000> : vector<256xf32>
    %reduce_min3A_18 = vector.multi_reduction <minimumf>, %select_n3A, %reduce_min3A [1] : vector<256x8320xf32> to vector<256xf32>
    %broadcast_in_dim3A_19 = vector.shape_cast %reduce_min3A_18 : vector<256xf32> to vector<256x1xf32>
    %le3A = vector.broadcast %broadcast_in_dim3A_19 : vector<256x1xf32> to vector<256x8320xf32>
    %le3A_20 = arith.cmpf ole, %select_n3A, %le3A : vector<256x8320xf32>
    %jit3A_21 = arith.constant 8281 : i32
    %broadcast_in_dim3A_22 = vector.broadcast %jit3A_21 : i32 to vector<256x8320xi32>
    %select_n3A_23 = arith.select %le3A_20, %iota3A, %broadcast_in_dim3A_22 : vector<256x8320xi1>, vector<256x8320xi32>
    %reduce_min3A_24 = arith.constant dense<2147483647> : vector<256xi32>
    %reduce_min3A_25 = vector.multi_reduction <minsi>, %select_n3A_23, %reduce_min3A_24 [1] : vector<256x8320xi32> to vector<256xi32>
    %broadcast_in_dim3A_26 = vector.shape_cast %reduce_min3A_25 : vector<256xi32> to vector<256x1xi32>
    %swap3A = arith.constant 0 : index
    %swap3A_27 = arith.constant 0 : index
    %swap3A_28 = vector.load %arg4[%swap3A, %swap3A_27] : memref<256x1xi32, #tpu.memory_space<vmem>>, vector<256x1xi32>
    tpu.vector_store %arg4[%swap3A, %swap3A_27], %broadcast_in_dim3A_26 {strides = array<i32>} : memref<256x1xi32, #tpu.memory_space<vmem>>, vector<256x1xi32>,
    %jit3A_29 = arith.constant 91 : i32
    %div3A = vector.broadcast %jit3A_29 : i32 to vector<256x1xi32>
    %div3A_30 = arith.divsi %broadcast_in_dim3A_26, %div3A : vector<256x1xi32>
    %sign3A = arith.constant 0 : i32
    %sign3A_31 = vector.broadcast %sign3A : i32 to vector<256x1xi32>
    %sign3A_32 = arith.cmpi sgt, %broadcast_in_dim3A_26, %sign3A_31 : vector<256x1xi32>
    %sign3A_33 = arith.extui %sign3A_32 : vector<256x1xi1> to vector<256x1xi32>
    %sign3A_34 = arith.constant 0 : i32
    %sign3A_35 = vector.broadcast %sign3A_34 : i32 to vector<256x1xi32>
    %sign3A_36 = arith.cmpi slt, %broadcast_in_dim3A_26, %sign3A_35 : vector<256x1xi32>
    %sign3A_37 = arith.extui %sign3A_36 : vector<256x1xi1> to vector<256x1xi32>
    %sign3A_38 = arith.subi %sign3A_33, %sign3A_37 : vector<256x1xi32>
    %sign3A_39 = arith.constant 0 : i32
    %sign3A_40 = arith.cmpi sgt, %jit3A_29, %sign3A_39 : i32
    %sign3A_41 = arith.extui %sign3A_40 : i1 to i32
    %sign3A_42 = arith.constant 0 : i32
    %sign3A_43 = arith.cmpi slt, %jit3A_29, %sign3A_42 : i32
    %sign3A_44 = arith.extui %sign3A_43 : i1 to i32
    %sign3A_45 = arith.subi %sign3A_41, %sign3A_44 : i32
    %ne3A = vector.broadcast %sign3A_45 : i32 to vector<256x1xi32>
    %ne3A_46 = arith.cmpi ne, %sign3A_38, %ne3A : vector<256x1xi32>
    %rem3A = vector.broadcast %jit3A_29 : i32 to vector<256x1xi32>
    %rem3A_47 = arith.remsi %broadcast_in_dim3A_26, %rem3A : vector<256x1xi32>
    %ne3A_48 = arith.constant 0 : i32
    %ne3A_49 = vector.broadcast %ne3A_48 : i32 to vector<256x1xi32>
    %ne3A_50 = arith.cmpi ne, %rem3A_47, %ne3A_49 : vector<256x1xi32>
    %and3A = arith.andi %ne3A_46, %ne3A_50 : vector<256x1xi1>
    %sub3A_51 = arith.constant 1 : i32
    %sub3A_52 = vector.broadcast %sub3A_51 : i32 to vector<256x1xi32>
    %sub3A_53 = arith.subi %div3A_30, %sub3A_52 : vector<256x1xi32>
    %select_n3A_54 = arith.select %and3A, %sub3A_53, %div3A_30 : vector<256x1xi1>, vector<256x1xi32>
    %swap3A_55 = arith.constant 0 : index
    %swap3A_56 = arith.constant 0 : index
    %swap3A_57 = vector.load %arg5[%swap3A_55, %swap3A_56] : memref<256x1xi32, #tpu.memory_space<vmem>>, vector<256x1xi32>
    tpu.vector_store %arg5[%swap3A_55, %swap3A_56], %select_n3A_54 {strides = array<i32>} : memref<256x1xi32, #tpu.memory_space<vmem>>, vector<256x1xi32>,
    %jit3A_58 = arith.constant 91 : i32
    %eq3A = arith.constant 0 : i32
    %eq3A_59 = arith.cmpi eq, %jit3A_58, %eq3A : i32
    %jit3A_60 = arith.constant 1 : i32
    %select_n3A_61 = arith.select %eq3A_59, %jit3A_60, %jit3A_58 : i32
    %rem3A_62 = vector.broadcast %select_n3A_61 : i32 to vector<256x1xi32>
    %rem3A_63 = arith.remsi %broadcast_in_dim3A_26, %rem3A_62 : vector<256x1xi32>
    %ne3A_64 = arith.constant 0 : i32
    %ne3A_65 = vector.broadcast %ne3A_64 : i32 to vector<256x1xi32>
    %ne3A_66 = arith.cmpi ne, %rem3A_63, %ne3A_65 : vector<256x1xi32>
    %lt3A = arith.constant 0 : i32
    %lt3A_67 = vector.broadcast %lt3A : i32 to vector<256x1xi32>
    %lt3A_68 = arith.cmpi slt, %rem3A_63, %lt3A_67 : vector<256x1xi32>
    %lt3A_69 = arith.constant 0 : i32
    %lt3A_70 = arith.cmpi slt, %select_n3A_61, %lt3A_69 : i32
    %ne3A_71 = vector.broadcast %lt3A_70 : i1 to vector<256x1xi1>
    %ne3A_72 = vector.broadcast %ne3A_71 : vector<256x1xi1> to vector<256x1xi1>
    %ne3A_73 = arith.xori %lt3A_68, %ne3A_72 : vector<256x1xi1>
    %and3A_74 = arith.andi %ne3A_73, %ne3A_66 : vector<256x1xi1>
    %add3A_75 = vector.broadcast %select_n3A_61 : i32 to vector<256x1xi32>
    %add3A_76 = arith.addi %rem3A_63, %add3A_75 : vector<256x1xi32>
    %select_n3A_77 = arith.select %and3A_74, %add3A_76, %rem3A_63 : vector<256x1xi1>, vector<256x1xi32>
    %swap3A_78 = arith.constant 0 : index
    %swap3A_79 = arith.constant 0 : index
    %swap3A_80 = vector.load %arg6[%swap3A_78, %swap3A_79] : memref<256x1xi32, #tpu.memory_space<vmem>>, vector<256x1xi32>
    tpu.vector_store %arg6[%swap3A_78, %swap3A_79], %select_n3A_77 {strides = array<i32>} : memref<256x1xi32, #tpu.memory_space<vmem>>, vector<256x1xi32>,
    return
  }
  func.func @transform_0(%arg0: i32) -> (i32, i32) {
    %c0_i32 = arith.constant 0 : i32
    %c0_i32_0 = arith.constant 0 : i32
    return %arg0, %c0_i32 : i32, i32
  }
  func.func @transform_1(%arg0: i32) -> (i32, i32) {
    %c0_i32 = arith.constant 0 : i32
    %c0_i32_0 = arith.constant 0 : i32
    %c0_i32_1 = arith.constant 0 : i32
    return %c0_i32, %c0_i32_0 : i32, i32
  }
  func.func @transform_2(%arg0: i32) -> (i32, i32) {
    %c0_i32 = arith.constant 0 : i32
    %c0_i32_0 = arith.constant 0 : i32
    %c0_i32_1 = arith.constant 0 : i32
    return %c0_i32, %c0_i32_0 : i32, i32
  }
  func.func @transform_3(%arg0: i32) -> (i32, i32) {
    %c0_i32 = arith.constant 0 : i32
    %c0_i32_0 = arith.constant 0 : i32
    return %arg0, %c0_i32 : i32, i32
  }
  func.func @transform_4(%arg0: i32) -> (i32, i32) {
    %c0_i32 = arith.constant 0 : i32
    %c0_i32_0 = arith.constant 0 : i32
    return %arg0, %c0_i32 : i32, i32
  }
  func.func @transform_5(%arg0: i32) -> (i32, i32) {
    %c0_i32 = arith.constant 0 : i32
    %c0_i32_0 = arith.constant 0 : i32
    return %arg0, %c0_i32 : i32, i32
  }
}

</mosaic_0001>

<sc_bundles>
// kernel: kernel.6.cloned.1.call-start
scs
__scs_entry_jumppad:
0x0: {  	(pc) =	sbr.rel $0x88, $3  }
0x1: {  	(tag) =	ssettag $0x0;
	lr =	simm.s32 $0x1  }
0x2: {  	[smem:$0x3F9D] =	sst lr;
	_ =	strace $0xD0000000  }
0x3: {  	_ = 	snop  }
0x4: {  	_ = 	snop  }
0x5: {  	_ = 	snop  }
0x6: {  	_ = 	snop  }
0x7: {  	_ = 	snop  }
__scs_overlays_trampoline_lowered:
0x8: {  	[smem:$0x3FAC] =	sst s0  }
0x9: {  	[smem:$0x3FAD] =	sst s1  }
0xa: {  	[smem:$0x3FAE] =	sst s2  }
0xb: {  	[smem:$0x3FAF] =	sst s3  }
0xc: {  	[smem:$0x3FB0] =	sst s4  }
0xd: {  	[smem:$0x3FB1] =	sst s5  }
0xe: {  	[smem:$0x3FB2] =	sst s6  }
0xf: {  	[smem:$0x3FB3] =	sst s7  }
0x10: {  	[smem:$0x3FB4] =	sst s8  }
0x11: {  	[smem:$0x3FB5] =	sst s9;
	s0 =	simm.s32 @!p0 $0x0  }
0x12: {  	s1 =	sld [smem:$0x3F9B];
	s0 =	simm.s32 @p0 $0x1  }
0x13: {  	[smem:$0x3FB6] =	sst s0;
	s0 =	simm.s32 @!p1 $0x0  }
0x14: {  	s2 =	sld [smem:$0x3F9A];
	s0 =	simm.s32 @p1 $0x1  }
0x15: {  	[smem:$0x3FB7] =	sst s0;
	s0 =	simm.s32 @!p2 $0x0  }
0x16: {  	s3 =	sld [smem:$0x3FDB];
	s0 =	simm.s32 @p2 $0x1  }
0x17: {  	s4 =	simm.s32 $0x1BF5;
	[smem:$0x3FB9] =	sst s0  }
0x18: {  	s0 =	sld [smem:$0x3F9C];
	_ =	swait.ge [sflag:s4], $0x0  }
0x19: {  	s7 =	sld [smem:$0x3F9D]  }
0x1a: {  	s8 =	sadd.s32 $0xFFFFE003, lr  }
0x1b: {  	s9 =	sadd.s32 $0xFFFFFEF7, lr;
	s5 =	simm.s32 $0xFFFFFFFF;
	p2 =	slt.u32 s8, $0xFFFFF086  }
0x1c: {  	p1 =	slt.u32 s9, $0xF7A;
	s5 =	simm.s32 @!p2 $0x0  }
0x1d: {  	s5 =	simm.s32 @p1 $0x1;
	p0 =	seq.s32 s7, s2  }
0x1e: {  	s7 =	smul.u32 @!p0 $0xF7A, s2;
	p2 =	seq.s32 @!p0 s5, $0x0  }
0x1f: {  	s9 =	smul.u32 $0xF7A, s1;
	s8 =	simm.s32 @!p0 $0x1BF5;
	p2 =	por !p2, p0  }
0x20: {  	[sflag:s8] =	ssyncset.s32 @!p0 $0xFFFFF086;
	s6 =	sadd.s32 @!p0 s3, s7;
	s7 =	simm.s32 @!p0 $0x108  }
0x21: {  	s3 =	sadd.s32 s3, s9;
	s6 =	sadd.s32 @!p0 $0x88, s6;
	s7 =	simm.s32 @p2 $0x1082  }
0x22: {  	[simem:s7], [sflag:s8] =	dma.local @!p0 [hbm:s6], $0xF7A  }
0x23: {  	s9 =	sor.u32 $0xD0000000, s2;
	s6 =	simm.s32 $0x108;
	_ =	swait.ge @!p0 [sflag:s8], $0x0  }
0x24: {  	s3 =	sadd.s32 $0x88, s3;
	s6 =	simm.s32 @!p1 $0x1082;
	[sflag:s4] =	ssyncset.s32 $0xFFFFF086  }
0x25: {  	[simem:s6], [sflag:s4] =	dma.local [hbm:s3], $0xF7A  }
0x26: {  	[smem:$0x3F9D] =	sst s1;
	(tag) =	ssettag s2;
	_ =	strace s9  }
0x27: {  	s1 =	sld [smem:$0x3FAD]  }
0x28: {  	s2 =	sld [smem:$0x3FAE]  }
0x29: {  	s4 =	sld [smem:$0x3FB0]  }
0x2a: {  	p0 =	seq.s32 s5, $0x0;
	s5 =	sld [smem:$0x3FB1]  }
0x2b: {  	s6 =	sld [smem:$0x3FB2]  }
0x2c: {  	s7 =	sld [smem:$0x3FB3]  }
0x2d: {  	s3 =	simm.s32 $0x108;
	s8 =	sld [smem:$0x3FB4]  }
0x2e: {  	s3 =	simm.s32 @!p0 $0x1082;
	s9 =	sld [smem:$0x3FB5]  }
0x2f: {  	lr =	sadd.s32 s0, s3;
	s0 =	sld [smem:$0x3FAC]  }
0x30: {  	s3 =	sld [smem:$0x3FAF]  }
0x31: {  	[smem:$0x3FB8] =	sst s10  }
0x32: {  	s10 =	sld [smem:$0x3FB6];
	_ =	sdelay $0x3  }
0x33: {  	p0 =	seq.s32 s10, $0x1;
	s10 =	sld [smem:$0x3FB8];
	_ =	sdelay $0x3  }
0x34: {  	[smem:$0x3FB8] =	sst s10  }
0x35: {  	s10 =	sld [smem:$0x3FB7];
	_ =	sdelay $0x3  }
0x36: {  	p1 =	seq.s32 s10, $0x1;
	s10 =	sld [smem:$0x3FB8];
	_ =	sdelay $0x3  }
0x37: {  	[smem:$0x3FB8] =	sst s10  }
0x38: {  	s10 =	sld [smem:$0x3FB9]  }
0x39: {  	_ = 	snop;
	(pc) =	sbr.ind lr, $3  }
0x3a: {  	_ = 	snop  }
0x3b: {  	_ = 	snop  }
0x3c: {  	p2 =	seq.s32 s10, $0x1;
	s10 =	sld [smem:$0x3FB8]  }
0x3d: {  	_ =	shalt  }
0x3e: {  	_ =	shalt  }
0x3f: {  	_ =	shalt  }
0x40: {  	_ =	shalt  }
0x41: {  	_ =	shalt  }
0x42: {  	_ =	shalt  }
0x43: {  	_ =	shalt  }
0x44: {  	_ =	shalt  }
0x45: {  	_ =	shalt  }
0x46: {  	_ =	shalt  }
0x47: {  	_ =	shalt  }
0x48: {  	_ =	shalt  }
0x49: {  	_ =	shalt  }
0x4a: {  	_ =	shalt  }
0x4b: {  	_ =	shalt  }
0x4c: {  	_ =	shalt  }
0x4d: {  	_ =	shalt  }
0x4e: {  	_ =	shalt  }
0x4f: {  	_ =	shalt  }
0x50: {  	_ =	shalt  }
0x51: {  	_ =	shalt  }
0x52: {  	_ =	shalt  }
0x53: {  	_ =	shalt  }
0x54: {  	_ =	shalt  }
0x55: {  	_ =	shalt  }
0x56: {  	_ =	shalt  }
0x57: {  	_ =	shalt  }
0x58: {  	_ =	shalt  }
0x59: {  	_ =	shalt  }
0x5a: {  	_ =	shalt  }
0x5b: {  	_ =	shalt  }
0x5c: {  	_ =	shalt  }
0x5d: {  	_ =	shalt  }
0x5e: {  	_ =	shalt  }
0x5f: {  	_ =	shalt  }
0x60: {  	_ =	shalt  }
0x61: {  	_ =	shalt  }
0x62: {  	_ =	shalt  }
0x63: {  	_ =	shalt  }
0x64: {  	_ =	shalt  }
0x65: {  	_ =	shalt  }
0x66: {  	_ =	shalt  }
0x67: {  	_ =	shalt  }
0x68: {  	_ =	shalt  }
0x69: {  	_ =	shalt  }
0x6a: {  	_ =	shalt  }
0x6b: {  	_ =	shalt  }
0x6c: {  	_ =	shalt  }
0x6d: {  	_ =	shalt  }
0x6e: {  	_ =	shalt  }
0x6f: {  	_ =	shalt  }
0x70: {  	_ =	shalt  }
0x71: {  	_ =	shalt  }
0x72: {  	_ =	shalt  }
0x73: {  	_ =	shalt  }
0x74: {  	_ =	shalt  }
0x75: {  	_ =	shalt  }
0x76: {  	_ =	shalt  }
0x77: {  	_ =	shalt  }
0x78: {  	_ =	shalt  }
0x79: {  	_ =	shalt  }
0x7a: {  	_ =	shalt  }
0x7b: {  	_ =	shalt  }
0x7c: {  	_ =	shalt  }
0x7d: {  	_ =	shalt  }
0x7e: {  	_ =	shalt  }
0x7f: {  	_ =	shalt  }
0x80: {  	_ =	shalt  }
0x81: {  	_ =	shalt  }
0x82: {  	_ =	shalt  }
0x83: {  	_ =	shalt  }
0x84: {  	_ =	shalt  }
0x85: {  	_ =	shalt  }
0x86: {  	_ =	shalt  }
0x87: {  	_ =	shalt  }
.Lfunc_end0:
.L_simem_size_0:
called_computation_lowered:
.L_overlay_start_0:
0x88: {  	s2 =	sld [smem:$0x3FD9]  }
0x89: {  	s3 =	sld [smem:$0x3FFE];
	_ =	sdelay $0x1  }
0x8a: {  	s1 =	srdreg.scid  }
0x8b: {  	s0 =	sand.u32 $0x1, s1  }
0x8c: {  	s14 =	sshll.u32 s0, $0xA;
	s2 =	sadd.s32 s3, s2  }
0x8d: {  	s2 =	sadd.s32 s2, s14  }
0x8e: {  	[smem:$0x3FC4] =	sst s2  }
0x8f: {  	_ = 	snop  }
0x90: {  	s2 =	sld [smem:$0x3FD0];
	_ =	sdelay $0x2  }
0x91: {  	s15 =	simm.s32 $0xA;
	s4 =	simm.s32 $0x10  }
0x92: {  	[smem:s4], [sflag:s15] =	dma.local [hbm:s2], $0x1  }
0x93: {  	_ =	swait.eq [sflag:s15], $0x1  }
0x94: {  	[sflag:s15] =	ssyncset.done $0x0  }
0x95: {  	[sflag:s15] =	ssyncadd.s32 $0xFFFFFFFF  }
0x96: {  	s16 =	sld [smem:$0x10];
	(tm) =	ssettm $0x1  }
0x97: {  	s17 =	sld [smem:$0x3FFB];
	_ =	sdelay $0x3  }
0x98: {  	_ =	strace s17  }
0x99: {  	s3 =	sld [smem:$0x3FFC];
	_ =	sdelay $0x3  }
0x9a: {  	_ =	strace s3  }
0x9b: {  	s3 =	sld [smem:$0x3FFD];
	_ =	sdelay $0x3  }
0x9c: {  	_ =	strace s3  }
0x9d: {  	_ =	strace $0x8FFFFFFF  }
0x9e: {  	s18 =	sld [smem:$0x3FDB];
	_ =	sdelay $0x1  }
0x9f: {  	s19 =	simm.s32 $_scs_section_size  }
0xa0: {  	s5 =	simm.s32 $_size__tile_overlayer_lowered;
	s6 =	simm.s32 $_tile_overlayer_lowered  }
0xa1: {  	s22 =	simm.s32 $0x1BFF;
	s21 =	sshll.u32 s6, $0x1;
	s3 =	sadd.s32 s19, s18  }
0xa2: {  	s7 =	simm.s32 $0x0;
	s20 =	sshll.u32 s5, $0x1;
	s5 =	sadd.s32 s21, s3  }
0xa3: {  	[timem:s7], [sflag:s22] =	dma.local [hbm:s5], s20  }
0xa4: {  	_ =	swait.ge [sflag:s22], s20  }
0xa5: {  	s4 =	ssub.s32 $0x0, s20;
	[sflag:s22] =	ssyncset.done $0x0  }
0xa6: {  	[sflag:s22] =	ssyncadd.s32 s4;
	_ =	sdelay $0x1  }
0xa7: {  	s23 =	simm.s32 $0x1B8B  }
0xa8: {  	_ =	swait.ge [sflag:s23], $0x1  }
0xa9: {  	[sflag:s23] =	ssyncset.done $0x0  }
0xaa: {  	s25 =	simm.s32 $0x1B8E;
	s24 =	sld [smem:$0x3FFE];
	[sflag:s23] =	ssyncadd.s32 $0xFFFFFFFF  }
0xab: {  	s26 =	simm.s32 $execute0_lowered;
	[smem:$0x3FD2] =	sst s25  }
0xac: {  	s5 =	sshll.u32 s26, $0x1;
	_ =	strace $0x80000046;
	[dreg:$0x1] =	wrdreg $0xFFFFFFFF  }
0xad: {  	s28 =	simm.s32 $_size_execute0_lowered;
	s3 =	sadd.s32 s3, s5;
	[dreg:$0x0] =	wrdreg $0x0  }
0xae: {  	s5 =	sshll.u32 s28, $0x1;
	[dreg:$0x2] =	wrdreg s3  }
0xaf: {  	[dreg:$0x3] =	wrdreg s5  }
0xb0: {  	[dreg:$0x4] =	wrdreg $0xC0  }
0xb1: {  	_ =	task [dreg:s7], $0x5FFFF  }
0xb2: {  	[dreg:$0x1] =	wrdreg $0xFFFFFFFF  }
0xb3: {  	[dreg:$0x0] =	wrdreg $0x60  }
0xb4: {  	[dreg:$0x2] =	wrdreg s24  }
0xb5: {  	[dreg:$0x3] =	wrdreg s16  }
0xb6: {  	[dreg:$0x4] =	wrdreg $0x9  }
0xb7: {  	_ =	task.clear_ibuf [dreg:s7], $0x5FFFF;
	_ =	strace $0x90000046  }
0xb8: {  	s29 =	simm.s32 $0x9;
	_ =	strace $0x80000048  }
0xb9: {  	_ =	swait.ge [sflag:s29], $0x1  }
0xba: {  	[sflag:s29] =	ssyncadd.s32 $0xFFFFFFFF  }
0xbb: {  	_ =	strace $0x90000048  }
0xbc: {  	_ =	sfence  }
0xbd: {  	s30 =	sld [smem:$0x0];
	_ =	sdelay $0x2  }
0xbe: {  	s31 =	sshll.u32 s1, $0xD;
	s1 =	sshrl.u32 s1, $0x2  }
0xbf: {  	s3 =	sand.u32 $0x4000, s31;
	s1 =	sadd.s32 s1, s30  }
0xc0: {  	s0 =	sor.u32 s3, s0;
	s1 =	sshll.u32 s1, $0x11  }
0xc1: {  	s0 =	sor.u32 s1, s0  }
0xc2: {  	s0 =	sadd.s32 $0x8F2B, s0  }
0xc3: {  	[sflag:s0] =	ssyncadd.remote.s32 $0x1  }
0xc4: {  	_ =	sfence.sel $0xFFFF  }
0xc5: {  	[dreg:$0x0] =	wrdreg $0xFFFFFFFF;
	(pc) =	sbr.abs _section_cstart, $3  }
0xc6: {  	[dreg:$0x1] =	wrdreg $0xFFFFFFFF  }
0xc7: {  	_ =	task.clear_ibuf [dreg:s7], $0x2FFFF;
	_ =	strace $0x9FFFFFFF  }
0xc8: {  	(tm) =	ssettm $0x7FFFFFFF  }
0xc9: {  	_ =	shalt  }
tec
execute0_lowered:
.L_overlay_start_1:
0x0: {  	(tag) =	ssettag $0x1  }
0x1: {  	s1 =	srdreg.scid  }
0x2: {  	s8 =	rddreg [dreg:$0x0];
	s0 =	stileid.u32  }
0x3: {  	s3 =	rddreg [dreg:$0x1];
	s2 =	simm.s32 $0x0;
	s6 =	sand.u32 $0x1, s1  }
0x4: {  	s4 =	sshll.u32 s0, $0x8;
	s1 =	rddreg [dreg:$0x2];
	s5 =	sshll.u32 s6, $0x7  }
0x5: {  	s7 =	simm.s32 $0x1;
	[smem:$0x7FF] =	sst s2;
	s9 =	sor.u32 s5, s4  }
0x6: {  	_ =	strace $0x80000047;
	s10 =	ssub.s32 $0x2, s6;
	s4 =	sshrl.u32 s9, $0x3  }
0x7: {  	s6 =	simm.s32 $0x80;
	s4 =	sadd.s32 s3, s4;
	s3 =	simm.s32 $0x2  }
0x8: {  	[tilespmem:s2], [sflag:$0x2] =	stream.linear.gather [hbm4b:s4+s2], $0x80, $0x38;
	[tilespmem:$0x4080] =	vst v63  }
0x9: {  	s5 =	sadd.s32 $0x200, s8;
	s11 =	sshrl.u32 s10, $0x1;
	_ =	swait.ge [sflag:s3], $0x80  }
0xa: {  	s9 =	sshll.u32 s9, $0x4;
	s31 =	ssub.s32 s10, s11;
	[sflag:s3] =	ssyncset.done $0x0  }
0xb: {  	s8 =	sadd.s32 s9, s8;
	s9 =	smax.u32 s31, $0x1;
	[sflag:s3] =	ssyncadd.s32 $0xFFFFFF80  }
0xc: {  	[tilespmem:s6], [sflag:$0x1] =	stream.indirect.gather [hbm4b:s5+s6], $0x80, s2, s6, $0xb8;
	[tilespmem:$0x4080] =	vst v63  }
0xd: {  	p0 =	sne.s32 s9, $0x1;
	_ =	swait.ge [sflag:s7], $0x4000  }
.Ltmp0:
0xe: {  	[sflag:s7] =	ssyncset.done $0x0;
	(pc) =	sbr.rel @!p0 .LBB2_2-.Ltmp0, $4  }
0xf: {  	s8 =	sadd.s32 $0x20200, s8;
	[sflag:s7] =	ssyncadd.s32 $0xFFFFC000  }
0x10: {  	[hbm4b:s8+s2] =	stream.linear.scatter [tilespmem:s6], [sflag:$0x2], $0x4000, $0x38;
	[tilespmem:$0x4080] =	vst v63  }
0x11: {  	_ =	swait.ge [sflag:s3], $0x4000  }
0x12: {  	s9 =	sadd.s32 $0xFFFFFFFF, s9;
	[sflag:s3] =	ssyncset.done $0x0  }
.LBB2_1:
0x13: {  	p0 =	sne.s32 s9, $0x1;
	s9 =	sadd.s32 $0xFFFFFFFF, s9;
	[sflag:s3] =	ssyncadd.s32 $0xFFFFC000  }
0x14: {  	[tilespmem:s2], [sflag:$0x2] =	stream.linear.gather [hbm4b:s4+s2], $0x80, $0x38;
	[tilespmem:$0x4080] =	vst v63  }
0x15: {  	_ =	swait.ge [sflag:s3], $0x80  }
0x16: {  	[sflag:s3] =	ssyncset.done $0x0  }
0x17: {  	[sflag:s3] =	ssyncadd.s32 $0xFFFFFF80  }
0x18: {  	[tilespmem:s6], [sflag:$0x1] =	stream.indirect.gather [hbm4b:s5+s6], $0x80, s2, s6, $0xb8;
	[tilespmem:$0x4080] =	vst v63  }
0x19: {  	_ =	swait.ge [sflag:s7], $0x4000  }
.Ltmp1:
0x1a: {  	[sflag:s7] =	ssyncset.done $0x0;
	(pc) =	sbr.rel @p0 .LBB2_1-.Ltmp1, $4  }
0x1b: {  	[sflag:s7] =	ssyncadd.s32 $0xFFFFC000  }
0x1c: {  	[hbm4b:s8+s2] =	stream.linear.scatter [tilespmem:s6], [sflag:$0x2], $0x4000, $0x38;
	[tilespmem:$0x4080] =	vst v63  }
0x1d: {  	_ =	swait.ge [sflag:s3], $0x4000  }
0x1e: {  	[sflag:s3] =	ssyncset.done $0x0  }
.LBB2_2:
0x1f: {  	[sflag:s3] =	ssyncadd.s32 $0xFFFFC000  }
0x20: {  	_ =	sfence.sel $0x180000  }
0x21: {  	[bflag:$0x0] =	sbarrier.arrive $0xFFFF  }
0x22: {  	p0 =	sne.s32 s0, $0x0;
	_ =	strace $0x90000047  }
0x23: {  	s0 =	sadd.s32 @!p0 $0x100000, s1;
	[bflag:$0x2] =	sbarrier.arrive $0xFFFF  }
0x24: {  	[sflag:s0] =	ssyncadd.tile.s32 @!p0 $0x1;
	_ =	shalt  }
.Lfunc_end2:
_tile_overlayer_lowered:
.L_overlay_start_2:
0x25: {  	(tag) =	ssettag $0x2  }
0x26: {  	s0 =	rddreg [dreg:$0x0];
	s2 =	stileid.u32  }
0x27: {  	s1 =	rddreg [dreg:$0x1];
	p0 =	sne.s32 s2, $0x0  }
0x28: {  	s3 =	rddreg [dreg:$0x2];
	[bflag:$0x3] =	sbarrier.arrive $0xFFFF;
	s2 =	simm.s32 @!p0 $0x1C02  }
0x29: {  	[timem:s3], [sflag:s2] =	dma.local @!p0 [hbm:s0], s1  }
0x2a: {  	s0 =	simm.s32 @!p0 $0x2  }
0x2b: {  	_ =	swait.ge @!p0 [sflag:s0], s1  }
0x2c: {  	s1 =	ssub.s32 @!p0 $0x0, s1;
	[sflag:s0] =	ssyncset.done @!p0 $0x0  }
0x2d: {  	[sflag:s0] =	ssyncadd.s32 @!p0 s1  }
0x2e: {  	[bflag:$0x3] =	sbarrier.arrive $0xFFFF  }
0x2f: {  	_ =	shalt  }

// kernel: kernel.9.cloned.1.call-start
scs
__scs_entry_jumppad:
0x0: {  	(pc) =	sbr.rel $0x88, $3  }
0x1: {  	(tag) =	ssettag $0x0;
	lr =	simm.s32 $0x1  }
0x2: {  	[smem:$0x3F9D] =	sst lr;
	_ =	strace $0xD0000000  }
0x3: {  	_ = 	snop  }
0x4: {  	_ = 	snop  }
0x5: {  	_ = 	snop  }
0x6: {  	_ = 	snop  }
0x7: {  	_ = 	snop  }
__scs_overlays_trampoline_lowered:
0x8: {  	[smem:$0x3FAC] =	sst s0  }
0x9: {  	[smem:$0x3FAD] =	sst s1  }
0xa: {  	[smem:$0x3FAE] =	sst s2  }
0xb: {  	[smem:$0x3FAF] =	sst s3  }
0xc: {  	[smem:$0x3FB0] =	sst s4  }
0xd: {  	[smem:$0x3FB1] =	sst s5  }
0xe: {  	[smem:$0x3FB2] =	sst s6  }
0xf: {  	[smem:$0x3FB3] =	sst s7  }
0x10: {  	[smem:$0x3FB4] =	sst s8  }
0x11: {  	[smem:$0x3FB5] =	sst s9;
	s0 =	simm.s32 @!p0 $0x0  }
0x12: {  	s1 =	sld [smem:$0x3F9B];
	s0 =	simm.s32 @p0 $0x1  }
0x13: {  	[smem:$0x3FB6] =	sst s0;
	s0 =	simm.s32 @!p1 $0x0  }
0x14: {  	s2 =	sld [smem:$0x3F9A];
	s0 =	simm.s32 @p1 $0x1  }
0x15: {  	[smem:$0x3FB7] =	sst s0;
	s0 =	simm.s32 @!p2 $0x0  }
0x16: {  	s3 =	sld [smem:$0x3FDB];
	s0 =	simm.s32 @p2 $0x1  }
0x17: {  	s4 =	simm.s32 $0x1BF5;
	[smem:$0x3FB9] =	sst s0  }
0x18: {  	s0 =	sld [smem:$0x3F9C];
	_ =	swait.ge [sflag:s4], $0x0  }
0x19: {  	s7 =	sld [smem:$0x3F9D]  }
0x1a: {  	s8 =	sadd.s32 $0xFFFFE003, lr  }
0x1b: {  	s9 =	sadd.s32 $0xFFFFFEF7, lr;
	s5 =	simm.s32 $0xFFFFFFFF;
	p2 =	slt.u32 s8, $0xFFFFF086  }
0x1c: {  	p1 =	slt.u32 s9, $0xF7A;
	s5 =	simm.s32 @!p2 $0x0  }
0x1d: {  	s5 =	simm.s32 @p1 $0x1;
	p0 =	seq.s32 s7, s2  }
0x1e: {  	s7 =	smul.u32 @!p0 $0xF7A, s2;
	p2 =	seq.s32 @!p0 s5, $0x0  }
0x1f: {  	s9 =	smul.u32 $0xF7A, s1;
	s8 =	simm.s32 @!p0 $0x1BF5;
	p2 =	por !p2, p0  }
0x20: {  	[sflag:s8] =	ssyncset.s32 @!p0 $0xFFFFF086;
	s6 =	sadd.s32 @!p0 s3, s7;
	s7 =	simm.s32 @!p0 $0x108  }
0x21: {  	s3 =	sadd.s32 s3, s9;
	s6 =	sadd.s32 @!p0 $0x88, s6;
	s7 =	simm.s32 @p2 $0x1082  }
0x22: {  	[simem:s7], [sflag:s8] =	dma.local @!p0 [hbm:s6], $0xF7A  }
0x23: {  	s9 =	sor.u32 $0xD0000000, s2;
	s6 =	simm.s32 $0x108;
	_ =	swait.ge @!p0 [sflag:s8], $0x0  }
0x24: {  	s3 =	sadd.s32 $0x88, s3;
	s6 =	simm.s32 @!p1 $0x1082;
	[sflag:s4] =	ssyncset.s32 $0xFFFFF086  }
0x25: {  	[simem:s6], [sflag:s4] =	dma.local [hbm:s3], $0xF7A  }
0x26: {  	[smem:$0x3F9D] =	sst s1;
	(tag) =	ssettag s2;
	_ =	strace s9  }
0x27: {  	s1 =	sld [smem:$0x3FAD]  }
0x28: {  	s2 =	sld [smem:$0x3FAE]  }
0x29: {  	s4 =	sld [smem:$0x3FB0]  }
0x2a: {  	p0 =	seq.s32 s5, $0x0;
	s5 =	sld [smem:$0x3FB1]  }
0x2b: {  	s6 =	sld [smem:$0x3FB2]  }
0x2c: {  	s7 =	sld [smem:$0x3FB3]  }
0x2d: {  	s3 =	simm.s32 $0x108;
	s8 =	sld [smem:$0x3FB4]  }
0x2e: {  	s3 =	simm.s32 @!p0 $0x1082;
	s9 =	sld [smem:$0x3FB5]  }
0x2f: {  	lr =	sadd.s32 s0, s3;
	s0 =	sld [smem:$0x3FAC]  }
0x30: {  	s3 =	sld [smem:$0x3FAF]  }
0x31: {  	[smem:$0x3FB8] =	sst s10  }
0x32: {  	s10 =	sld [smem:$0x3FB6];
	_ =	sdelay $0x3  }
0x33: {  	p0 =	seq.s32 s10, $0x1;
	s10 =	sld [smem:$0x3FB8];
	_ =	sdelay $0x3  }
0x34: {  	[smem:$0x3FB8] =	sst s10  }
0x35: {  	s10 =	sld [smem:$0x3FB7];
	_ =	sdelay $0x3  }
0x36: {  	p1 =	seq.s32 s10, $0x1;
	s10 =	sld [smem:$0x3FB8];
	_ =	sdelay $0x3  }
0x37: {  	[smem:$0x3FB8] =	sst s10  }
0x38: {  	s10 =	sld [smem:$0x3FB9]  }
0x39: {  	_ = 	snop;
	(pc) =	sbr.ind lr, $3  }
0x3a: {  	_ = 	snop  }
0x3b: {  	_ = 	snop  }
0x3c: {  	p2 =	seq.s32 s10, $0x1;
	s10 =	sld [smem:$0x3FB8]  }
0x3d: {  	_ =	shalt  }
0x3e: {  	_ =	shalt  }
0x3f: {  	_ =	shalt  }
0x40: {  	_ =	shalt  }
0x41: {  	_ =	shalt  }
0x42: {  	_ =	shalt  }
0x43: {  	_ =	shalt  }
0x44: {  	_ =	shalt  }
0x45: {  	_ =	shalt  }
0x46: {  	_ =	shalt  }
0x47: {  	_ =	shalt  }
0x48: {  	_ =	shalt  }
0x49: {  	_ =	shalt  }
0x4a: {  	_ =	shalt  }
0x4b: {  	_ =	shalt  }
0x4c: {  	_ =	shalt  }
0x4d: {  	_ =	shalt  }
0x4e: {  	_ =	shalt  }
0x4f: {  	_ =	shalt  }
0x50: {  	_ =	shalt  }
0x51: {  	_ =	shalt  }
0x52: {  	_ =	shalt  }
0x53: {  	_ =	shalt  }
0x54: {  	_ =	shalt  }
0x55: {  	_ =	shalt  }
0x56: {  	_ =	shalt  }
0x57: {  	_ =	shalt  }
0x58: {  	_ =	shalt  }
0x59: {  	_ =	shalt  }
0x5a: {  	_ =	shalt  }
0x5b: {  	_ =	shalt  }
0x5c: {  	_ =	shalt  }
0x5d: {  	_ =	shalt  }
0x5e: {  	_ =	shalt  }
0x5f: {  	_ =	shalt  }
0x60: {  	_ =	shalt  }
0x61: {  	_ =	shalt  }
0x62: {  	_ =	shalt  }
0x63: {  	_ =	shalt  }
0x64: {  	_ =	shalt  }
0x65: {  	_ =	shalt  }
0x66: {  	_ =	shalt  }
0x67: {  	_ =	shalt  }
0x68: {  	_ =	shalt  }
0x69: {  	_ =	shalt  }
0x6a: {  	_ =	shalt  }
0x6b: {  	_ =	shalt  }
0x6c: {  	_ =	shalt  }
0x6d: {  	_ =	shalt  }
0x6e: {  	_ =	shalt  }
0x6f: {  	_ =	shalt  }
0x70: {  	_ =	shalt  }
0x71: {  	_ =	shalt  }
0x72: {  	_ =	shalt  }
0x73: {  	_ =	shalt  }
0x74: {  	_ =	shalt  }
0x75: {  	_ =	shalt  }
0x76: {  	_ =	shalt  }
0x77: {  	_ =	shalt  }
0x78: {  	_ =	shalt  }
0x79: {  	_ =	shalt  }
0x7a: {  	_ =	shalt  }
0x7b: {  	_ =	shalt  }
0x7c: {  	_ =	shalt  }
0x7d: {  	_ =	shalt  }
0x7e: {  	_ =	shalt  }
0x7f: {  	_ =	shalt  }
0x80: {  	_ =	shalt  }
0x81: {  	_ =	shalt  }
0x82: {  	_ =	shalt  }
0x83: {  	_ =	shalt  }
0x84: {  	_ =	shalt  }
0x85: {  	_ =	shalt  }
0x86: {  	_ =	shalt  }
0x87: {  	_ =	shalt  }
.Lfunc_end0:
.L_simem_size_0:
called_computation.1_lowered:
.L_overlay_start_0:
0x88: {  	s2 =	sld [smem:$0x3FD9]  }
0x89: {  	s3 =	sld [smem:$0x3FFE];
	_ =	sdelay $0x1  }
0x8a: {  	s1 =	srdreg.scid  }
0x8b: {  	s0 =	sand.u32 $0x1, s1  }
0x8c: {  	s14 =	sshll.u32 s0, $0xA;
	s2 =	sadd.s32 s3, s2  }
0x8d: {  	s2 =	sadd.s32 s2, s14  }
0x8e: {  	[smem:$0x3FC4] =	sst s2  }
0x8f: {  	_ = 	snop  }
0x90: {  	s2 =	sld [smem:$0x3FD0];
	_ =	sdelay $0x2  }
0x91: {  	s15 =	simm.s32 $0xA;
	s4 =	simm.s32 $0x10  }
0x92: {  	[smem:s4], [sflag:s15] =	dma.local [hbm:s2], $0x1  }
0x93: {  	_ =	swait.eq [sflag:s15], $0x1  }
0x94: {  	[sflag:s15] =	ssyncset.done $0x0  }
0x95: {  	[sflag:s15] =	ssyncadd.s32 $0xFFFFFFFF  }
0x96: {  	s16 =	sld [smem:$0x11];
	(tm) =	ssettm $0x1  }
0x97: {  	s17 =	sld [smem:$0x3FFB];
	_ =	sdelay $0x3  }
0x98: {  	_ =	strace s17  }
0x99: {  	s3 =	sld [smem:$0x3FFC];
	_ =	sdelay $0x3  }
0x9a: {  	_ =	strace s3  }
0x9b: {  	s3 =	sld [smem:$0x3FFD];
	_ =	sdelay $0x3  }
0x9c: {  	_ =	strace s3  }
0x9d: {  	_ =	strace $0x8FFFFFFF  }
0x9e: {  	s18 =	sld [smem:$0x3FDB];
	_ =	sdelay $0x1  }
0x9f: {  	s19 =	simm.s32 $_scs_section_size  }
0xa0: {  	s5 =	simm.s32 $_size__tile_overlayer_lowered;
	s6 =	simm.s32 $_tile_overlayer_lowered  }
0xa1: {  	s22 =	simm.s32 $0x1BFF;
	s21 =	sshll.u32 s6, $0x1;
	s3 =	sadd.s32 s19, s18  }
0xa2: {  	s7 =	simm.s32 $0x0;
	s20 =	sshll.u32 s5, $0x1;
	s5 =	sadd.s32 s21, s3  }
0xa3: {  	[timem:s7], [sflag:s22] =	dma.local [hbm:s5], s20  }
0xa4: {  	_ =	swait.ge [sflag:s22], s20  }
0xa5: {  	s4 =	ssub.s32 $0x0, s20;
	[sflag:s22] =	ssyncset.done $0x0  }
0xa6: {  	[sflag:s22] =	ssyncadd.s32 s4;
	_ =	sdelay $0x1  }
0xa7: {  	s23 =	simm.s32 $0x1B8B  }
0xa8: {  	_ =	swait.ge [sflag:s23], $0x1  }
0xa9: {  	[sflag:s23] =	ssyncset.done $0x0  }
0xaa: {  	s25 =	simm.s32 $0x1B8E;
	s24 =	sld [smem:$0x3FFE];
	[sflag:s23] =	ssyncadd.s32 $0xFFFFFFFF  }
0xab: {  	s26 =	simm.s32 $execute0_lowered;
	[smem:$0x3FD2] =	sst s25  }
0xac: {  	s5 =	sshll.u32 s26, $0x1;
	_ =	strace $0x80000049;
	[dreg:$0x1] =	wrdreg $0xFFFFFFFF  }
0xad: {  	s28 =	simm.s32 $_size_execute0_lowered;
	s3 =	sadd.s32 s3, s5;
	[dreg:$0x0] =	wrdreg $0x0  }
0xae: {  	s5 =	sshll.u32 s28, $0x1;
	[dreg:$0x2] =	wrdreg s3  }
0xaf: {  	[dreg:$0x3] =	wrdreg s5  }
0xb0: {  	[dreg:$0x4] =	wrdreg $0xC0  }
0xb1: {  	_ =	task [dreg:s7], $0x5FFFF  }
0xb2: {  	[dreg:$0x1] =	wrdreg $0xFFFFFFFF  }
0xb3: {  	[dreg:$0x0] =	wrdreg $0x60  }
0xb4: {  	[dreg:$0x2] =	wrdreg s24  }
0xb5: {  	[dreg:$0x3] =	wrdreg s16  }
0xb6: {  	[dreg:$0x4] =	wrdreg $0x9  }
0xb7: {  	_ =	task.clear_ibuf [dreg:s7], $0x5FFFF;
	_ =	strace $0x90000049  }
0xb8: {  	s29 =	simm.s32 $0x9;
	_ =	strace $0x8000004B  }
0xb9: {  	_ =	swait.ge [sflag:s29], $0x1  }
0xba: {  	[sflag:s29] =	ssyncadd.s32 $0xFFFFFFFF  }
0xbb: {  	_ =	strace $0x9000004B  }
0xbc: {  	_ =	sfence  }
0xbd: {  	s30 =	sld [smem:$0x0];
	_ =	sdelay $0x2  }
0xbe: {  	s31 =	sshll.u32 s1, $0xD;
	s1 =	sshrl.u32 s1, $0x2  }
0xbf: {  	s3 =	sand.u32 $0x4000, s31;
	s1 =	sadd.s32 s1, s30  }
0xc0: {  	s0 =	sor.u32 s3, s0;
	s1 =	sshll.u32 s1, $0x11  }
0xc1: {  	s0 =	sor.u32 s1, s0  }
0xc2: {  	s0 =	sadd.s32 $0x8F2B, s0  }
0xc3: {  	[sflag:s0] =	ssyncadd.remote.s32 $0x1  }
0xc4: {  	_ =	sfence.sel $0xFFFF  }
0xc5: {  	[dreg:$0x0] =	wrdreg $0xFFFFFFFF;
	(pc) =	sbr.abs _section_cstart, $3  }
0xc6: {  	[dreg:$0x1] =	wrdreg $0xFFFFFFFF  }
0xc7: {  	_ =	task.clear_ibuf [dreg:s7], $0x2FFFF;
	_ =	strace $0x9FFFFFFF  }
0xc8: {  	(tm) =	ssettm $0x7FFFFFFF  }
0xc9: {  	_ =	shalt  }
tec
execute0_lowered:
.L_overlay_start_1:
0x0: {  	(tag) =	ssettag $0x1  }
0x1: {  	s1 =	srdreg.scid  }
0x2: {  	s8 =	rddreg [dreg:$0x0];
	s0 =	stileid.u32  }
0x3: {  	s3 =	rddreg [dreg:$0x1];
	s2 =	simm.s32 $0x0;
	s6 =	sand.u32 $0x1, s1  }
0x4: {  	s4 =	sshll.u32 s0, $0x8;
	s1 =	rddreg [dreg:$0x2];
	s5 =	sshll.u32 s6, $0x7  }
0x5: {  	s7 =	simm.s32 $0x1;
	[smem:$0x7FF] =	sst s2;
	s9 =	sor.u32 s5, s4  }
0x6: {  	_ =	strace $0x8000004A;
	s10 =	ssub.s32 $0x2, s6;
	s4 =	sshrl.u32 s9, $0x3  }
0x7: {  	s6 =	simm.s32 $0x80;
	s4 =	sadd.s32 s3, s4;
	s3 =	simm.s32 $0x2  }
0x8: {  	[tilespmem:s2], [sflag:$0x2] =	stream.linear.gather [hbm4b:s4+s2], $0x80, $0x38;
	[tilespmem:$0x4080] =	vst v63  }
0x9: {  	s5 =	sadd.s32 $0x30200, s8;
	s11 =	sshrl.u32 s10, $0x1;
	_ =	swait.ge [sflag:s3], $0x80  }
0xa: {  	s9 =	sshll.u32 s9, $0x4;
	s31 =	ssub.s32 s10, s11;
	[sflag:s3] =	ssyncset.done $0x0  }
0xb: {  	s8 =	sadd.s32 s9, s8;
	s9 =	smax.u32 s31, $0x1;
	[sflag:s3] =	ssyncadd.s32 $0xFFFFFF80  }
0xc: {  	[tilespmem:s6], [sflag:$0x1] =	stream.indirect.gather [hbm4b:s5+s6], $0x80, s2, s6, $0xb8;
	[tilespmem:$0x4080] =	vst v63  }
0xd: {  	p0 =	sne.s32 s9, $0x1;
	_ =	swait.ge [sflag:s7], $0x4000  }
.Ltmp0:
0xe: {  	[sflag:s7] =	ssyncset.done $0x0;
	(pc) =	sbr.rel @!p0 .LBB2_2-.Ltmp0, $4  }
0xf: {  	s8 =	sadd.s32 $0x200, s8;
	[sflag:s7] =	ssyncadd.s32 $0xFFFFC000  }
0x10: {  	[hbm4b:s8+s2] =	stream.linear.scatter [tilespmem:s6], [sflag:$0x2], $0x4000, $0x38;
	[tilespmem:$0x4080] =	vst v63  }
0x11: {  	_ =	swait.ge [sflag:s3], $0x4000  }
0x12: {  	s9 =	sadd.s32 $0xFFFFFFFF, s9;
	[sflag:s3] =	ssyncset.done $0x0  }
.LBB2_1:
0x13: {  	p0 =	sne.s32 s9, $0x1;
	s9 =	sadd.s32 $0xFFFFFFFF, s9;
	[sflag:s3] =	ssyncadd.s32 $0xFFFFC000  }
0x14: {  	[tilespmem:s2], [sflag:$0x2] =	stream.linear.gather [hbm4b:s4+s2], $0x80, $0x38;
	[tilespmem:$0x4080] =	vst v63  }
0x15: {  	_ =	swait.ge [sflag:s3], $0x80  }
0x16: {  	[sflag:s3] =	ssyncset.done $0x0  }
0x17: {  	[sflag:s3] =	ssyncadd.s32 $0xFFFFFF80  }
0x18: {  	[tilespmem:s6], [sflag:$0x1] =	stream.indirect.gather [hbm4b:s5+s6], $0x80, s2, s6, $0xb8;
	[tilespmem:$0x4080] =	vst v63  }
0x19: {  	_ =	swait.ge [sflag:s7], $0x4000  }
.Ltmp1:
0x1a: {  	[sflag:s7] =	ssyncset.done $0x0;
	(pc) =	sbr.rel @p0 .LBB2_1-.Ltmp1, $4  }
0x1b: {  	[sflag:s7] =	ssyncadd.s32 $0xFFFFC000  }
0x1c: {  	[hbm4b:s8+s2] =	stream.linear.scatter [tilespmem:s6], [sflag:$0x2], $0x4000, $0x38;
	[tilespmem:$0x4080] =	vst v63  }
0x1d: {  	_ =	swait.ge [sflag:s3], $0x4000  }
0x1e: {  	[sflag:s3] =	ssyncset.done $0x0  }
.LBB2_2:
0x1f: {  	[sflag:s3] =	ssyncadd.s32 $0xFFFFC000  }
0x20: {  	_ =	sfence.sel $0x180000  }
0x21: {  	[bflag:$0x0] =	sbarrier.arrive $0xFFFF  }
0x22: {  	p0 =	sne.s32 s0, $0x0;
	_ =	strace $0x9000004A  }
0x23: {  	s0 =	sadd.s32 @!p0 $0x100000, s1;
	[bflag:$0x2] =	sbarrier.arrive $0xFFFF  }
0x24: {  	[sflag:s0] =	ssyncadd.tile.s32 @!p0 $0x1;
	_ =	shalt  }
.Lfunc_end2:
_tile_overlayer_lowered:
.L_overlay_start_2:
0x25: {  	(tag) =	ssettag $0x2  }
0x26: {  	s0 =	rddreg [dreg:$0x0];
	s2 =	stileid.u32  }
0x27: {  	s1 =	rddreg [dreg:$0x1];
	p0 =	sne.s32 s2, $0x0  }
0x28: {  	s3 =	rddreg [dreg:$0x2];
	[bflag:$0x3] =	sbarrier.arrive $0xFFFF;
	s2 =	simm.s32 @!p0 $0x1C02  }
0x29: {  	[timem:s3], [sflag:s2] =	dma.local @!p0 [hbm:s0], s1  }
0x2a: {  	s0 =	simm.s32 @!p0 $0x2  }
0x2b: {  	_ =	swait.ge @!p0 [sflag:s0], s1  }
0x2c: {  	s1 =	ssub.s32 @!p0 $0x0, s1;
	[sflag:s0] =	ssyncset.done @!p0 $0x0  }
0x2d: {  	[sflag:s0] =	ssyncadd.s32 @!p0 s1  }
0x2e: {  	[bflag:$0x3] =	sbarrier.arrive $0xFFFF  }
0x2f: {  	_ =	shalt  }

</sc_bundles>
